<compile_context>
chip_gen: v7x
topology: tpu7x:2x2x1
jax: 0.10.2.dev20260603
libtpu: 0.0.44.dev20260713+nightly
codegen_flags: <defaults>
</compile_context>

<pallas_src>
import functools

import jax
import jax.numpy as jnp
from jax import lax
from jax.experimental import pallas as pl
from jax.experimental.pallas import tpu as pltpu
from jax.experimental.pallas import tpu_sc as plsc

DIM = 128
NROWS = 1000
BATCH = 16384
NUM_CORES = 2
NUM_SUBCORES = 16
NUM_WORKERS = NUM_CORES * NUM_SUBCORES
B_PER_W = BATCH // NUM_WORKERS
CHUNK = 128
NCHUNK = B_PER_W // CHUNK
STAGE_TILES = 8
ROWS_PER_STAGER = 128


def _make_gather():
    mesh = plsc.VectorSubcoreMesh(core_axis_name="c", subcore_axis_name="s")

    @functools.partial(
        pl.kernel,
        mesh=mesh,
        out_type=jax.ShapeDtypeStruct((BATCH, DIM), jnp.float32),
        scratch_types=[
            pltpu.VMEM((B_PER_W,), jnp.int32),
            pltpu.VMEM((B_PER_W, DIM), jnp.float32),
            pltpu.VMEM_SHARED((NROWS, DIM), jnp.float32),
            pltpu.SemaphoreType.DMA((NCHUNK,)),
            pltpu.SemaphoreType.DMA,
        ],
    )
    def gather_kernel(idx_hbm, table_hbm, out_hbm, idx_v, rows_v, table_sp,
                      gsem, wsem):
        sid = lax.axis_index("s")
        wid = sid * NUM_CORES + lax.axis_index("c")
        base = wid * B_PER_W
        pltpu.sync_copy(idx_hbm.at[pl.ds(base, B_PER_W)], idx_v)

        for t in range(STAGE_TILES):
            r0 = t * ROWS_PER_STAGER
            nr = min(ROWS_PER_STAGER, NROWS - r0)

            @pl.when(sid == t)
            def _stage(r0=r0, nr=nr):
                pltpu.sync_copy(
                    table_hbm.at[pl.ds(r0, nr)],
                    table_sp.at[pl.ds(r0, nr)],
                )

        plsc.subcore_barrier()

        gathers = [
            pltpu.make_async_copy(
                table_sp.at[idx_v.at[pl.ds(j * CHUNK, CHUNK)]],
                rows_v.at[pl.ds(j * CHUNK, CHUNK)],
                gsem.at[j],
            )
            for j in range(NCHUNK)
        ]
        writes = [
            pltpu.make_async_copy(
                rows_v.at[pl.ds(j * CHUNK, CHUNK)],
                out_hbm.at[pl.ds(base + j * CHUNK, CHUNK)],
                wsem,
            )
            for j in range(NCHUNK)
        ]
        for g in gathers:
            g.start()
        for j in range(NCHUNK):
            gathers[j].wait()
            writes[j].start()
        for w in writes:
            w.wait()

    return gather_kernel


_gather = _make_gather()


def kernel(timesteps, pe):
    return _gather(timesteps, pe)

# --- scband reference (transcript-rebuilt; emitter-appended) ---
"""Pipeline reference for scband-sinusoidal-time-embedding-13134009991362 (READ-ONLY COPY).

The authoritative reference and input builder live on the scoring server;
editing this copy changes nothing except your own understanding.
"""

import jax, jax.numpy as jnp
import numpy as np

DIM = 128
NUM_TIMESTEPS = 1000
BATCH = 16384

def _compute_pe(num_timesteps, dim):
    position = jnp.arange(num_timesteps).astype(jnp.float32)[:, None]
    div_term = jnp.exp(jnp.arange(0, dim, 2).astype(jnp.float32) * (-np.log(10000.0) / dim))
    pe = jnp.zeros((num_timesteps, dim), dtype=jnp.float32)
    pe = pe.at[:, 0::2].set(jnp.sin(position * div_term))
    pe = pe.at[:, 1::2].set(jnp.cos(position * div_term))
    return pe

def setup_inputs(seed: int = 0) -> dict:
    key = jax.random.key(seed)
    timesteps = jax.random.randint(key, (BATCH,), 0, NUM_TIMESTEPS, dtype=jnp.int64 if jax.config.jax_enable_x64 else jnp.int32)
    pe = _compute_pe(NUM_TIMESTEPS, DIM)
    return {"timesteps": timesteps, "pe": pe}

def reference(timesteps, pe):
    # Embedding lookup: pe[timesteps] -> shape timesteps.shape + (dim,)
    return jnp.take(pe, timesteps, axis=0)

if __name__ == "__main__":
    import jax
    _d = setup_inputs()
    print(jax.jit(kernel)(*tuple(_d.values())))

</pallas_src>

<mosaic_0001>
#map = affine_map<(d0, d1) -> (0)>
#map1 = affine_map<(d0, d1) -> (0, 0)>
module attributes {stable_mosaic.version = 14 : i64} {
  func.func @gather_kernel(%arg0: i32, %arg1: i32, %arg2: memref<16384xi32, #tpu.memory_space<hbm>>, %arg3: memref<1000x128xf32, #tpu.memory_space<hbm>>, %arg4: memref<16384x128xf32, #tpu.memory_space<hbm>>, %arg5: memref<512xi32, #tpu.memory_space<vmem>>, %arg6: memref<512x128xf32, #tpu.memory_space<vmem>>, %arg7: memref<1000x128xf32, #tpu.memory_space<vmem_shared>>, %arg8: memref<4x!tpu.dma_semaphore, #tpu.memory_space<semaphore_mem>>, %arg9: memref<!tpu.dma_semaphore, #tpu.memory_space<semaphore_mem>>) attributes {dimension_semantics = [#tpu.dimension_semantics<core_parallel>, #tpu.dimension_semantics<subcore_parallel>], iteration_bounds = array<i64: 2, 16>, scalar_prefetch = 0 : i64, scratch_operands = 5 : i64, tpu.core_type = #tpu.core_type<sc_vector_subcore>, window_params = [{transform_indices = #map}, {transform_indices = #map1}, {transform_indices = #map1}]} {
    %mul3A = arith.constant 2 : i32
    %mul3A_0 = arith.muli %arg1, %mul3A : i32
    %add3A = arith.addi %mul3A_0, %arg0 : i32
    %mul3A_1 = arith.constant 512 : i32
    %mul3A_2 = arith.muli %add3A, %mul3A_1 : i32
    "tpu.region"() ({
      %run_scoped3A = tpu.sem_alloc : memref<!tpu.dma_semaphore, #tpu.memory_space<semaphore_mem>>
      %dma_start3A_214 = tpu.memref_slice %arg2[%mul3A_2] : memref<16384xi32, #tpu.memory_space<hbm>> -> memref<512xi32, #tpu.memory_space<hbm>>
      %dma_start3A_215 = tpu.memref_slice %arg2[%mul3A_2] : memref<16384xi32, #tpu.memory_space<hbm>> -> memref<512xi32, #tpu.memory_space<hbm>>
      tpu.enqueue_dma source(%dma_start3A_215 : memref<512xi32, #tpu.memory_space<hbm>>) target(%arg5 : memref<512xi32, #tpu.memory_space<vmem>>) target_semaphore(%run_scoped3A : memref<!tpu.dma_semaphore, #tpu.memory_space<semaphore_mem>>)
      %dma_wait3A_216 = tpu.memref_slice %arg2[%mul3A_2] : memref<16384xi32, #tpu.memory_space<hbm>> -> memref<512xi32, #tpu.memory_space<hbm>>
      %dma_wait3A_217 = tpu.memref_slice %arg2[%mul3A_2] : memref<16384xi32, #tpu.memory_space<hbm>> -> memref<512xi32, #tpu.memory_space<hbm>>
      tpu.wait_dma2 semaphore(%run_scoped3A : memref<!tpu.dma_semaphore, #tpu.memory_space<semaphore_mem>>) src(%dma_wait3A_217 : memref<512xi32, #tpu.memory_space<hbm>>) dst(%arg5 : memref<512xi32, #tpu.memory_space<vmem>>)
      tpu.yield
    }) : () -> ()
    %eq3A = arith.constant 0 : i32
    %eq3A_3 = arith.cmpi eq, %arg1, %eq3A : i32
    %convert_element_type3A = arith.extui %eq3A_3 : i1 to i32
    %cond3A = arith.constant 0 : i32
    %cond3A_4 = arith.cmpi ne, %convert_element_type3A, %cond3A : i32
    scf.if %cond3A_4 {
      "tpu.region"() ({
        %run_scoped3A = tpu.sem_alloc : memref<!tpu.dma_semaphore, #tpu.memory_space<semaphore_mem>>
        %dma_start3A_214 = arith.constant 0 : i32
        %dma_start3A_215 = arith.constant 0 : i32
        %dma_start3A_216 = tpu.memref_slice %arg7[%dma_start3A_214, %dma_start3A_215] : memref<1000x128xf32, #tpu.memory_space<vmem_shared>> -> memref<128x128xf32, #tpu.memory_space<vmem_shared>>
        %dma_start3A_217 = arith.constant 0 : i32
        %dma_start3A_218 = arith.constant 0 : i32
        %dma_start3A_219 = tpu.memref_slice %arg3[%dma_start3A_217, %dma_start3A_218] : memref<1000x128xf32, #tpu.memory_space<hbm>> -> memref<128x128xf32, #tpu.memory_space<hbm>>
        tpu.enqueue_dma source(%dma_start3A_219 : memref<128x128xf32, #tpu.memory_space<hbm>>) target(%dma_start3A_216 : memref<128x128xf32, #tpu.memory_space<vmem_shared>>) target_semaphore(%run_scoped3A : memref<!tpu.dma_semaphore, #tpu.memory_space<semaphore_mem>>)
        %dma_wait3A_220 = arith.constant 0 : i32
        %dma_wait3A_221 = arith.constant 0 : i32
        %dma_wait3A_222 = tpu.memref_slice %arg7[%dma_wait3A_220, %dma_wait3A_221] : memref<1000x128xf32, #tpu.memory_space<vmem_shared>> -> memref<128x128xf32, #tpu.memory_space<vmem_shared>>
        %dma_wait3A_223 = arith.constant 0 : i32
        %dma_wait3A_224 = arith.constant 0 : i32
        %dma_wait3A_225 = tpu.memref_slice %arg3[%dma_wait3A_223, %dma_wait3A_224] : memref<1000x128xf32, #tpu.memory_space<hbm>> -> memref<128x128xf32, #tpu.memory_space<hbm>>
        tpu.wait_dma2 semaphore(%run_scoped3A : memref<!tpu.dma_semaphore, #tpu.memory_space<semaphore_mem>>) src(%dma_wait3A_225 : memref<128x128xf32, #tpu.memory_space<hbm>>) dst(%dma_wait3A_222 : memref<128x128xf32, #tpu.memory_space<vmem_shared>>)
        tpu.yield
      }) : () -> ()
    } else {
    }
    %eq3A_5 = arith.constant 1 : i32
    %eq3A_6 = arith.cmpi eq, %arg1, %eq3A_5 : i32
    %convert_element_type3A_7 = arith.extui %eq3A_6 : i1 to i32
    %cond3A_8 = arith.constant 0 : i32
    %cond3A_9 = arith.cmpi ne, %convert_element_type3A_7, %cond3A_8 : i32
    scf.if %cond3A_9 {
      "tpu.region"() ({
        %run_scoped3A = tpu.sem_alloc : memref<!tpu.dma_semaphore, #tpu.memory_space<semaphore_mem>>
        %dma_start3A_214 = arith.constant 128 : i32
        %dma_start3A_215 = arith.constant 0 : i32
        %dma_start3A_216 = tpu.memref_slice %arg7[%dma_start3A_214, %dma_start3A_215] : memref<1000x128xf32, #tpu.memory_space<vmem_shared>> -> memref<128x128xf32, #tpu.memory_space<vmem_shared>>
        %dma_start3A_217 = arith.constant 128 : i32
        %dma_start3A_218 = arith.constant 0 : i32
        %dma_start3A_219 = tpu.memref_slice %arg3[%dma_start3A_217, %dma_start3A_218] : memref<1000x128xf32, #tpu.memory_space<hbm>> -> memref<128x128xf32, #tpu.memory_space<hbm>>
        tpu.enqueue_dma source(%dma_start3A_219 : memref<128x128xf32, #tpu.memory_space<hbm>>) target(%dma_start3A_216 : memref<128x128xf32, #tpu.memory_space<vmem_shared>>) target_semaphore(%run_scoped3A : memref<!tpu.dma_semaphore, #tpu.memory_space<semaphore_mem>>)
        %dma_wait3A_220 = arith.constant 128 : i32
        %dma_wait3A_221 = arith.constant 0 : i32
        %dma_wait3A_222 = tpu.memref_slice %arg7[%dma_wait3A_220, %dma_wait3A_221] : memref<1000x128xf32, #tpu.memory_space<vmem_shared>> -> memref<128x128xf32, #tpu.memory_space<vmem_shared>>
        %dma_wait3A_223 = arith.constant 128 : i32
        %dma_wait3A_224 = arith.constant 0 : i32
        %dma_wait3A_225 = tpu.memref_slice %arg3[%dma_wait3A_223, %dma_wait3A_224] : memref<1000x128xf32, #tpu.memory_space<hbm>> -> memref<128x128xf32, #tpu.memory_space<hbm>>
        tpu.wait_dma2 semaphore(%run_scoped3A : memref<!tpu.dma_semaphore, #tpu.memory_space<semaphore_mem>>) src(%dma_wait3A_225 : memref<128x128xf32, #tpu.memory_space<hbm>>) dst(%dma_wait3A_222 : memref<128x128xf32, #tpu.memory_space<vmem_shared>>)
        tpu.yield
      }) : () -> ()
    } else {
    }
    %eq3A_10 = arith.constant 2 : i32
    %eq3A_11 = arith.cmpi eq, %arg1, %eq3A_10 : i32
    %convert_element_type3A_12 = arith.extui %eq3A_11 : i1 to i32
    %cond3A_13 = arith.constant 0 : i32
    %cond3A_14 = arith.cmpi ne, %convert_element_type3A_12, %cond3A_13 : i32
    scf.if %cond3A_14 {
      "tpu.region"() ({
        %run_scoped3A = tpu.sem_alloc : memref<!tpu.dma_semaphore, #tpu.memory_space<semaphore_mem>>
        %dma_start3A_214 = arith.constant 256 : i32
        %dma_start3A_215 = arith.constant 0 : i32
        %dma_start3A_216 = tpu.memref_slice %arg7[%dma_start3A_214, %dma_start3A_215] : memref<1000x128xf32, #tpu.memory_space<vmem_shared>> -> memref<128x128xf32, #tpu.memory_space<vmem_shared>>
        %dma_start3A_217 = arith.constant 256 : i32
        %dma_start3A_218 = arith.constant 0 : i32
        %dma_start3A_219 = tpu.memref_slice %arg3[%dma_start3A_217, %dma_start3A_218] : memref<1000x128xf32, #tpu.memory_space<hbm>> -> memref<128x128xf32, #tpu.memory_space<hbm>>
        tpu.enqueue_dma source(%dma_start3A_219 : memref<128x128xf32, #tpu.memory_space<hbm>>) target(%dma_start3A_216 : memref<128x128xf32, #tpu.memory_space<vmem_shared>>) target_semaphore(%run_scoped3A : memref<!tpu.dma_semaphore, #tpu.memory_space<semaphore_mem>>)
        %dma_wait3A_220 = arith.constant 256 : i32
        %dma_wait3A_221 = arith.constant 0 : i32
        %dma_wait3A_222 = tpu.memref_slice %arg7[%dma_wait3A_220, %dma_wait3A_221] : memref<1000x128xf32, #tpu.memory_space<vmem_shared>> -> memref<128x128xf32, #tpu.memory_space<vmem_shared>>
        %dma_wait3A_223 = arith.constant 256 : i32
        %dma_wait3A_224 = arith.constant 0 : i32
        %dma_wait3A_225 = tpu.memref_slice %arg3[%dma_wait3A_223, %dma_wait3A_224] : memref<1000x128xf32, #tpu.memory_space<hbm>> -> memref<128x128xf32, #tpu.memory_space<hbm>>
        tpu.wait_dma2 semaphore(%run_scoped3A : memref<!tpu.dma_semaphore, #tpu.memory_space<semaphore_mem>>) src(%dma_wait3A_225 : memref<128x128xf32, #tpu.memory_space<hbm>>) dst(%dma_wait3A_222 : memref<128x128xf32, #tpu.memory_space<vmem_shared>>)
        tpu.yield
      }) : () -> ()
    } else {
    }
    %eq3A_15 = arith.constant 3 : i32
    %eq3A_16 = arith.cmpi eq, %arg1, %eq3A_15 : i32
    %convert_element_type3A_17 = arith.extui %eq3A_16 : i1 to i32
    %cond3A_18 = arith.constant 0 : i32
    %cond3A_19 = arith.cmpi ne, %convert_element_type3A_17, %cond3A_18 : i32
    scf.if %cond3A_19 {
      "tpu.region"() ({
        %run_scoped3A = tpu.sem_alloc : memref<!tpu.dma_semaphore, #tpu.memory_space<semaphore_mem>>
        %dma_start3A_214 = arith.constant 384 : i32
        %dma_start3A_215 = arith.constant 0 : i32
        %dma_start3A_216 = tpu.memref_slice %arg7[%dma_start3A_214, %dma_start3A_215] : memref<1000x128xf32, #tpu.memory_space<vmem_shared>> -> memref<128x128xf32, #tpu.memory_space<vmem_shared>>
        %dma_start3A_217 = arith.constant 384 : i32
        %dma_start3A_218 = arith.constant 0 : i32
        %dma_start3A_219 = tpu.memref_slice %arg3[%dma_start3A_217, %dma_start3A_218] : memref<1000x128xf32, #tpu.memory_space<hbm>> -> memref<128x128xf32, #tpu.memory_space<hbm>>
        tpu.enqueue_dma source(%dma_start3A_219 : memref<128x128xf32, #tpu.memory_space<hbm>>) target(%dma_start3A_216 : memref<128x128xf32, #tpu.memory_space<vmem_shared>>) target_semaphore(%run_scoped3A : memref<!tpu.dma_semaphore, #tpu.memory_space<semaphore_mem>>)
        %dma_wait3A_220 = arith.constant 384 : i32
        %dma_wait3A_221 = arith.constant 0 : i32
        %dma_wait3A_222 = tpu.memref_slice %arg7[%dma_wait3A_220, %dma_wait3A_221] : memref<1000x128xf32, #tpu.memory_space<vmem_shared>> -> memref<128x128xf32, #tpu.memory_space<vmem_shared>>
        %dma_wait3A_223 = arith.constant 384 : i32
        %dma_wait3A_224 = arith.constant 0 : i32
        %dma_wait3A_225 = tpu.memref_slice %arg3[%dma_wait3A_223, %dma_wait3A_224] : memref<1000x128xf32, #tpu.memory_space<hbm>> -> memref<128x128xf32, #tpu.memory_space<hbm>>
        tpu.wait_dma2 semaphore(%run_scoped3A : memref<!tpu.dma_semaphore, #tpu.memory_space<semaphore_mem>>) src(%dma_wait3A_225 : memref<128x128xf32, #tpu.memory_space<hbm>>) dst(%dma_wait3A_222 : memref<128x128xf32, #tpu.memory_space<vmem_shared>>)
        tpu.yield
      }) : () -> ()
    } else {
    }
    %eq3A_20 = arith.constant 4 : i32
    %eq3A_21 = arith.cmpi eq, %arg1, %eq3A_20 : i32
    %convert_element_type3A_22 = arith.extui %eq3A_21 : i1 to i32
    %cond3A_23 = arith.constant 0 : i32
    %cond3A_24 = arith.cmpi ne, %convert_element_type3A_22, %cond3A_23 : i32
    scf.if %cond3A_24 {
      "tpu.region"() ({
        %run_scoped3A = tpu.sem_alloc : memref<!tpu.dma_semaphore, #tpu.memory_space<semaphore_mem>>
        %dma_start3A_214 = arith.constant 512 : i32
        %dma_start3A_215 = arith.constant 0 : i32
        %dma_start3A_216 = tpu.memref_slice %arg7[%dma_start3A_214, %dma_start3A_215] : memref<1000x128xf32, #tpu.memory_space<vmem_shared>> -> memref<128x128xf32, #tpu.memory_space<vmem_shared>>
        %dma_start3A_217 = arith.constant 512 : i32
        %dma_start3A_218 = arith.constant 0 : i32
        %dma_start3A_219 = tpu.memref_slice %arg3[%dma_start3A_217, %dma_start3A_218] : memref<1000x128xf32, #tpu.memory_space<hbm>> -> memref<128x128xf32, #tpu.memory_space<hbm>>
        tpu.enqueue_dma source(%dma_start3A_219 : memref<128x128xf32, #tpu.memory_space<hbm>>) target(%dma_start3A_216 : memref<128x128xf32, #tpu.memory_space<vmem_shared>>) target_semaphore(%run_scoped3A : memref<!tpu.dma_semaphore, #tpu.memory_space<semaphore_mem>>)
        %dma_wait3A_220 = arith.constant 512 : i32
        %dma_wait3A_221 = arith.constant 0 : i32
        %dma_wait3A_222 = tpu.memref_slice %arg7[%dma_wait3A_220, %dma_wait3A_221] : memref<1000x128xf32, #tpu.memory_space<vmem_shared>> -> memref<128x128xf32, #tpu.memory_space<vmem_shared>>
        %dma_wait3A_223 = arith.constant 512 : i32
        %dma_wait3A_224 = arith.constant 0 : i32
        %dma_wait3A_225 = tpu.memref_slice %arg3[%dma_wait3A_223, %dma_wait3A_224] : memref<1000x128xf32, #tpu.memory_space<hbm>> -> memref<128x128xf32, #tpu.memory_space<hbm>>
        tpu.wait_dma2 semaphore(%run_scoped3A : memref<!tpu.dma_semaphore, #tpu.memory_space<semaphore_mem>>) src(%dma_wait3A_225 : memref<128x128xf32, #tpu.memory_space<hbm>>) dst(%dma_wait3A_222 : memref<128x128xf32, #tpu.memory_space<vmem_shared>>)
        tpu.yield
      }) : () -> ()
    } else {
    }
    %eq3A_25 = arith.constant 5 : i32
    %eq3A_26 = arith.cmpi eq, %arg1, %eq3A_25 : i32
    %convert_element_type3A_27 = arith.extui %eq3A_26 : i1 to i32
    %cond3A_28 = arith.constant 0 : i32
    %cond3A_29 = arith.cmpi ne, %convert_element_type3A_27, %cond3A_28 : i32
    scf.if %cond3A_29 {
      "tpu.region"() ({
        %run_scoped3A = tpu.sem_alloc : memref<!tpu.dma_semaphore, #tpu.memory_space<semaphore_mem>>
        %dma_start3A_214 = arith.constant 640 : i32
        %dma_start3A_215 = arith.constant 0 : i32
        %dma_start3A_216 = tpu.memref_slice %arg7[%dma_start3A_214, %dma_start3A_215] : memref<1000x128xf32, #tpu.memory_space<vmem_shared>> -> memref<128x128xf32, #tpu.memory_space<vmem_shared>>
        %dma_start3A_217 = arith.constant 640 : i32
        %dma_start3A_218 = arith.constant 0 : i32
        %dma_start3A_219 = tpu.memref_slice %arg3[%dma_start3A_217, %dma_start3A_218] : memref<1000x128xf32, #tpu.memory_space<hbm>> -> memref<128x128xf32, #tpu.memory_space<hbm>>
        tpu.enqueue_dma source(%dma_start3A_219 : memref<128x128xf32, #tpu.memory_space<hbm>>) target(%dma_start3A_216 : memref<128x128xf32, #tpu.memory_space<vmem_shared>>) target_semaphore(%run_scoped3A : memref<!tpu.dma_semaphore, #tpu.memory_space<semaphore_mem>>)
        %dma_wait3A_220 = arith.constant 640 : i32
        %dma_wait3A_221 = arith.constant 0 : i32
        %dma_wait3A_222 = tpu.memref_slice %arg7[%dma_wait3A_220, %dma_wait3A_221] : memref<1000x128xf32, #tpu.memory_space<vmem_shared>> -> memref<128x128xf32, #tpu.memory_space<vmem_shared>>
        %dma_wait3A_223 = arith.constant 640 : i32
        %dma_wait3A_224 = arith.constant 0 : i32
        %dma_wait3A_225 = tpu.memref_slice %arg3[%dma_wait3A_223, %dma_wait3A_224] : memref<1000x128xf32, #tpu.memory_space<hbm>> -> memref<128x128xf32, #tpu.memory_space<hbm>>
        tpu.wait_dma2 semaphore(%run_scoped3A : memref<!tpu.dma_semaphore, #tpu.memory_space<semaphore_mem>>) src(%dma_wait3A_225 : memref<128x128xf32, #tpu.memory_space<hbm>>) dst(%dma_wait3A_222 : memref<128x128xf32, #tpu.memory_space<vmem_shared>>)
        tpu.yield
      }) : () -> ()
    } else {
    }
    %eq3A_30 = arith.constant 6 : i32
    %eq3A_31 = arith.cmpi eq, %arg1, %eq3A_30 : i32
    %convert_element_type3A_32 = arith.extui %eq3A_31 : i1 to i32
    %cond3A_33 = arith.constant 0 : i32
    %cond3A_34 = arith.cmpi ne, %convert_element_type3A_32, %cond3A_33 : i32
    scf.if %cond3A_34 {
      "tpu.region"() ({
        %run_scoped3A = tpu.sem_alloc : memref<!tpu.dma_semaphore, #tpu.memory_space<semaphore_mem>>
        %dma_start3A_214 = arith.constant 768 : i32
        %dma_start3A_215 = arith.constant 0 : i32
        %dma_start3A_216 = tpu.memref_slice %arg7[%dma_start3A_214, %dma_start3A_215] : memref<1000x128xf32, #tpu.memory_space<vmem_shared>> -> memref<128x128xf32, #tpu.memory_space<vmem_shared>>
        %dma_start3A_217 = arith.constant 768 : i32
        %dma_start3A_218 = arith.constant 0 : i32
        %dma_start3A_219 = tpu.memref_slice %arg3[%dma_start3A_217, %dma_start3A_218] : memref<1000x128xf32, #tpu.memory_space<hbm>> -> memref<128x128xf32, #tpu.memory_space<hbm>>
        tpu.enqueue_dma source(%dma_start3A_219 : memref<128x128xf32, #tpu.memory_space<hbm>>) target(%dma_start3A_216 : memref<128x128xf32, #tpu.memory_space<vmem_shared>>) target_semaphore(%run_scoped3A : memref<!tpu.dma_semaphore, #tpu.memory_space<semaphore_mem>>)
        %dma_wait3A_220 = arith.constant 768 : i32
        %dma_wait3A_221 = arith.constant 0 : i32
        %dma_wait3A_222 = tpu.memref_slice %arg7[%dma_wait3A_220, %dma_wait3A_221] : memref<1000x128xf32, #tpu.memory_space<vmem_shared>> -> memref<128x128xf32, #tpu.memory_space<vmem_shared>>
        %dma_wait3A_223 = arith.constant 768 : i32
        %dma_wait3A_224 = arith.constant 0 : i32
        %dma_wait3A_225 = tpu.memref_slice %arg3[%dma_wait3A_223, %dma_wait3A_224] : memref<1000x128xf32, #tpu.memory_space<hbm>> -> memref<128x128xf32, #tpu.memory_space<hbm>>
        tpu.wait_dma2 semaphore(%run_scoped3A : memref<!tpu.dma_semaphore, #tpu.memory_space<semaphore_mem>>) src(%dma_wait3A_225 : memref<128x128xf32, #tpu.memory_space<hbm>>) dst(%dma_wait3A_222 : memref<128x128xf32, #tpu.memory_space<vmem_shared>>)
        tpu.yield
      }) : () -> ()
    } else {
    }
    %eq3A_35 = arith.constant 7 : i32
    %eq3A_36 = arith.cmpi eq, %arg1, %eq3A_35 : i32
    %convert_element_type3A_37 = arith.extui %eq3A_36 : i1 to i32
    %cond3A_38 = arith.constant 0 : i32
    %cond3A_39 = arith.cmpi ne, %convert_element_type3A_37, %cond3A_38 : i32
    scf.if %cond3A_39 {
      "tpu.region"() ({
        %run_scoped3A = tpu.sem_alloc : memref<!tpu.dma_semaphore, #tpu.memory_space<semaphore_mem>>
        %dma_start3A_214 = arith.constant 896 : i32
        %dma_start3A_215 = arith.constant 0 : i32
        %dma_start3A_216 = tpu.memref_slice %arg7[%dma_start3A_214, %dma_start3A_215] : memref<1000x128xf32, #tpu.memory_space<vmem_shared>> -> memref<104x128xf32, #tpu.memory_space<vmem_shared>>
        %dma_start3A_217 = arith.constant 896 : i32
        %dma_start3A_218 = arith.constant 0 : i32
        %dma_start3A_219 = tpu.memref_slice %arg3[%dma_start3A_217, %dma_start3A_218] : memref<1000x128xf32, #tpu.memory_space<hbm>> -> memref<104x128xf32, #tpu.memory_space<hbm>>
        tpu.enqueue_dma source(%dma_start3A_219 : memref<104x128xf32, #tpu.memory_space<hbm>>) target(%dma_start3A_216 : memref<104x128xf32, #tpu.memory_space<vmem_shared>>) target_semaphore(%run_scoped3A : memref<!tpu.dma_semaphore, #tpu.memory_space<semaphore_mem>>)
        %dma_wait3A_220 = arith.constant 896 : i32
        %dma_wait3A_221 = arith.constant 0 : i32
        %dma_wait3A_222 = tpu.memref_slice %arg7[%dma_wait3A_220, %dma_wait3A_221] : memref<1000x128xf32, #tpu.memory_space<vmem_shared>> -> memref<104x128xf32, #tpu.memory_space<vmem_shared>>
        %dma_wait3A_223 = arith.constant 896 : i32
        %dma_wait3A_224 = arith.constant 0 : i32
        %dma_wait3A_225 = tpu.memref_slice %arg3[%dma_wait3A_223, %dma_wait3A_224] : memref<1000x128xf32, #tpu.memory_space<hbm>> -> memref<104x128xf32, #tpu.memory_space<hbm>>
        tpu.wait_dma2 semaphore(%run_scoped3A : memref<!tpu.dma_semaphore, #tpu.memory_space<semaphore_mem>>) src(%dma_wait3A_225 : memref<104x128xf32, #tpu.memory_space<hbm>>) dst(%dma_wait3A_222 : memref<104x128xf32, #tpu.memory_space<vmem_shared>>)
        tpu.yield
      }) : () -> ()
    } else {
    }
    %barrier3A = arith.constant 0 : index
    tpu.barrier barrier_id(%barrier3A)
    %add3A_40 = arith.constant 0 : i32
    %add3A_41 = arith.addi %mul3A_2, %add3A_40 : i32
    %add3A_42 = arith.constant 128 : i32
    %add3A_43 = arith.addi %mul3A_2, %add3A_42 : i32
    %add3A_44 = arith.constant 256 : i32
    %add3A_45 = arith.addi %mul3A_2, %add3A_44 : i32
    %add3A_46 = arith.constant 384 : i32
    %add3A_47 = arith.addi %mul3A_2, %add3A_46 : i32
    %dma_start3A = arith.constant 0 : i32
    %dma_start3A_48 = arith.constant 0 : i32
    %dma_start3A_49 = arith.constant 0 : i32
    %dma_start3A_50 = tpu.memref_slice %arg6[%dma_start3A_48, %dma_start3A_49] : memref<512x128xf32, #tpu.memory_space<vmem>> -> memref<128x128xf32, #tpu.memory_space<vmem>>
    %dma_start3A_51 = arith.constant 0 : i32
    %dma_start3A_52 = tpu.memref_slice %arg5[%dma_start3A_51] : memref<512xi32, #tpu.memory_space<vmem>> -> memref<128xi32, #tpu.memory_space<vmem>>
    %dma_start3A_53 = arith.constant 0 : i32
    %dma_start3A_54 = arith.constant 0 : i32
    %dma_start3A_55 = tpu.memref_slice %arg7[%dma_start3A_53, %dma_start3A_54] : memref<1000x128xf32, #tpu.memory_space<vmem_shared>> -> memref<1000x128xf32, #tpu.memory_space<vmem_shared>>
    %dma_start3A_56 = tpu.memref_slice %arg8[%dma_start3A] : memref<4x!tpu.dma_semaphore, #tpu.memory_space<semaphore_mem>> -> memref<1x!tpu.dma_semaphore, #tpu.memory_space<semaphore_mem>>
    %dma_start3A_57 = tpu.memref_squeeze %dma_start3A_56 : memref<1x!tpu.dma_semaphore, #tpu.memory_space<semaphore_mem>> -> memref<!tpu.dma_semaphore, #tpu.memory_space<semaphore_mem>>
    tpu.enqueue_indirect_dma source(%dma_start3A_55 : memref<1000x128xf32, #tpu.memory_space<vmem_shared>>) target(%dma_start3A_50 : memref<128x128xf32, #tpu.memory_space<vmem>>) offsets(%dma_start3A_52 : memref<128xi32, #tpu.memory_space<vmem>>) semaphore(%dma_start3A_57 : memref<!tpu.dma_semaphore, #tpu.memory_space<semaphore_mem>>)
    %dma_start3A_58 = arith.constant 1 : i32
    %dma_start3A_59 = arith.constant 128 : i32
    %dma_start3A_60 = arith.constant 0 : i32
    %dma_start3A_61 = tpu.memref_slice %arg6[%dma_start3A_59, %dma_start3A_60] : memref<512x128xf32, #tpu.memory_space<vmem>> -> memref<128x128xf32, #tpu.memory_space<vmem>>
    %dma_start3A_62 = arith.constant 128 : i32
    %dma_start3A_63 = tpu.memref_slice %arg5[%dma_start3A_62] : memref<512xi32, #tpu.memory_space<vmem>> -> memref<128xi32, #tpu.memory_space<vmem>>
    %dma_start3A_64 = arith.constant 0 : i32
    %dma_start3A_65 = arith.constant 0 : i32
    %dma_start3A_66 = tpu.memref_slice %arg7[%dma_start3A_64, %dma_start3A_65] : memref<1000x128xf32, #tpu.memory_space<vmem_shared>> -> memref<1000x128xf32, #tpu.memory_space<vmem_shared>>
    %dma_start3A_67 = tpu.memref_slice %arg8[%dma_start3A_58] : memref<4x!tpu.dma_semaphore, #tpu.memory_space<semaphore_mem>> -> memref<1x!tpu.dma_semaphore, #tpu.memory_space<semaphore_mem>>
    %dma_start3A_68 = tpu.memref_squeeze %dma_start3A_67 : memref<1x!tpu.dma_semaphore, #tpu.memory_space<semaphore_mem>> -> memref<!tpu.dma_semaphore, #tpu.memory_space<semaphore_mem>>
    tpu.enqueue_indirect_dma source(%dma_start3A_66 : memref<1000x128xf32, #tpu.memory_space<vmem_shared>>) target(%dma_start3A_61 : memref<128x128xf32, #tpu.memory_space<vmem>>) offsets(%dma_start3A_63 : memref<128xi32, #tpu.memory_space<vmem>>) semaphore(%dma_start3A_68 : memref<!tpu.dma_semaphore, #tpu.memory_space<semaphore_mem>>)
    %dma_start3A_69 = arith.constant 2 : i32
    %dma_start3A_70 = arith.constant 256 : i32
    %dma_start3A_71 = arith.constant 0 : i32
    %dma_start3A_72 = tpu.memref_slice %arg6[%dma_start3A_70, %dma_start3A_71] : memref<512x128xf32, #tpu.memory_space<vmem>> -> memref<128x128xf32, #tpu.memory_space<vmem>>
    %dma_start3A_73 = arith.constant 256 : i32
    %dma_start3A_74 = tpu.memref_slice %arg5[%dma_start3A_73] : memref<512xi32, #tpu.memory_space<vmem>> -> memref<128xi32, #tpu.memory_space<vmem>>
    %dma_start3A_75 = arith.constant 0 : i32
    %dma_start3A_76 = arith.constant 0 : i32
    %dma_start3A_77 = tpu.memref_slice %arg7[%dma_start3A_75, %dma_start3A_76] : memref<1000x128xf32, #tpu.memory_space<vmem_shared>> -> memref<1000x128xf32, #tpu.memory_space<vmem_shared>>
    %dma_start3A_78 = tpu.memref_slice %arg8[%dma_start3A_69] : memref<4x!tpu.dma_semaphore, #tpu.memory_space<semaphore_mem>> -> memref<1x!tpu.dma_semaphore, #tpu.memory_space<semaphore_mem>>
    %dma_start3A_79 = tpu.memref_squeeze %dma_start3A_78 : memref<1x!tpu.dma_semaphore, #tpu.memory_space<semaphore_mem>> -> memref<!tpu.dma_semaphore, #tpu.memory_space<semaphore_mem>>
    tpu.enqueue_indirect_dma source(%dma_start3A_77 : memref<1000x128xf32, #tpu.memory_space<vmem_shared>>) target(%dma_start3A_72 : memref<128x128xf32, #tpu.memory_space<vmem>>) offsets(%dma_start3A_74 : memref<128xi32, #tpu.memory_space<vmem>>) semaphore(%dma_start3A_79 : memref<!tpu.dma_semaphore, #tpu.memory_space<semaphore_mem>>)
    %dma_start3A_80 = arith.constant 3 : i32
    %dma_start3A_81 = arith.constant 384 : i32
    %dma_start3A_82 = arith.constant 0 : i32
    %dma_start3A_83 = tpu.memref_slice %arg6[%dma_start3A_81, %dma_start3A_82] : memref<512x128xf32, #tpu.memory_space<vmem>> -> memref<128x128xf32, #tpu.memory_space<vmem>>
    %dma_start3A_84 = arith.constant 384 : i32
    %dma_start3A_85 = tpu.memref_slice %arg5[%dma_start3A_84] : memref<512xi32, #tpu.memory_space<vmem>> -> memref<128xi32, #tpu.memory_space<vmem>>
    %dma_start3A_86 = arith.constant 0 : i32
    %dma_start3A_87 = arith.constant 0 : i32
    %dma_start3A_88 = tpu.memref_slice %arg7[%dma_start3A_86, %dma_start3A_87] : memref<1000x128xf32, #tpu.memory_space<vmem_shared>> -> memref<1000x128xf32, #tpu.memory_space<vmem_shared>>
    %dma_start3A_89 = tpu.memref_slice %arg8[%dma_start3A_80] : memref<4x!tpu.dma_semaphore, #tpu.memory_space<semaphore_mem>> -> memref<1x!tpu.dma_semaphore, #tpu.memory_space<semaphore_mem>>
    %dma_start3A_90 = tpu.memref_squeeze %dma_start3A_89 : memref<1x!tpu.dma_semaphore, #tpu.memory_space<semaphore_mem>> -> memref<!tpu.dma_semaphore, #tpu.memory_space<semaphore_mem>>
    tpu.enqueue_indirect_dma source(%dma_start3A_88 : memref<1000x128xf32, #tpu.memory_space<vmem_shared>>) target(%dma_start3A_83 : memref<128x128xf32, #tpu.memory_space<vmem>>) offsets(%dma_start3A_85 : memref<128xi32, #tpu.memory_space<vmem>>) semaphore(%dma_start3A_90 : memref<!tpu.dma_semaphore, #tpu.memory_space<semaphore_mem>>)
    %dma_wait3A = arith.constant 0 : i32
    %dma_wait3A_91 = arith.constant 0 : i32
    %dma_wait3A_92 = arith.constant 0 : i32
    %dma_wait3A_93 = tpu.memref_slice %arg6[%dma_wait3A_91, %dma_wait3A_92] : memref<512x128xf32, #tpu.memory_space<vmem>> -> memref<128x128xf32, #tpu.memory_space<vmem>>
    %dma_wait3A_94 = arith.constant 0 : i32
    %dma_wait3A_95 = tpu.memref_slice %arg5[%dma_wait3A_94] : memref<512xi32, #tpu.memory_space<vmem>> -> memref<128xi32, #tpu.memory_space<vmem>>
    %dma_wait3A_96 = arith.constant 0 : i32
    %dma_wait3A_97 = arith.constant 0 : i32
    %dma_wait3A_98 = tpu.memref_slice %arg7[%dma_wait3A_96, %dma_wait3A_97] : memref<1000x128xf32, #tpu.memory_space<vmem_shared>> -> memref<1000x128xf32, #tpu.memory_space<vmem_shared>>
    %dma_wait3A_99 = tpu.memref_slice %arg8[%dma_wait3A] : memref<4x!tpu.dma_semaphore, #tpu.memory_space<semaphore_mem>> -> memref<1x!tpu.dma_semaphore, #tpu.memory_space<semaphore_mem>>
    %dma_wait3A_100 = tpu.memref_squeeze %dma_wait3A_99 : memref<1x!tpu.dma_semaphore, #tpu.memory_space<semaphore_mem>> -> memref<!tpu.dma_semaphore, #tpu.memory_space<semaphore_mem>>
    tpu.wait_indirect_dma semaphore(%dma_wait3A_100 : memref<!tpu.dma_semaphore, #tpu.memory_space<semaphore_mem>>) src(%dma_wait3A_98 : memref<1000x128xf32, #tpu.memory_space<vmem_shared>>) dst(%dma_wait3A_93 : memref<128x128xf32, #tpu.memory_space<vmem>>)
    %dma_start3A_101 = arith.constant 0 : i32
    %dma_start3A_102 = arith.constant 0 : i32
    %dma_start3A_103 = tpu.memref_slice %arg6[%dma_start3A_101, %dma_start3A_102] : memref<512x128xf32, #tpu.memory_space<vmem>> -> memref<128x128xf32, #tpu.memory_space<vmem>>
    %dma_start3A_104 = arith.constant 0 : i32
    %dma_start3A_105 = tpu.memref_slice %arg4[%add3A_41, %dma_start3A_104] : memref<16384x128xf32, #tpu.memory_space<hbm>> -> memref<128x128xf32, #tpu.memory_space<hbm>>
    %dma_start3A_106 = arith.constant 0 : i32
    %dma_start3A_107 = tpu.memref_slice %arg4[%add3A_41, %dma_start3A_106] : memref<16384x128xf32, #tpu.memory_space<hbm>> -> memref<128x128xf32, #tpu.memory_space<hbm>>
    %dma_start3A_108 = arith.constant 0 : i32
    %dma_start3A_109 = arith.constant 0 : i32
    %dma_start3A_110 = tpu.memref_slice %arg6[%dma_start3A_108, %dma_start3A_109] : memref<512x128xf32, #tpu.memory_space<vmem>> -> memref<128x128xf32, #tpu.memory_space<vmem>>
    tpu.enqueue_dma source(%dma_start3A_110 : memref<128x128xf32, #tpu.memory_space<vmem>>) target(%dma_start3A_107 : memref<128x128xf32, #tpu.memory_space<hbm>>) target_semaphore(%arg9 : memref<!tpu.dma_semaphore, #tpu.memory_space<semaphore_mem>>)
    %dma_wait3A_111 = arith.constant 1 : i32
    %dma_wait3A_112 = arith.constant 128 : i32
    %dma_wait3A_113 = arith.constant 0 : i32
    %dma_wait3A_114 = tpu.memref_slice %arg6[%dma_wait3A_112, %dma_wait3A_113] : memref<512x128xf32, #tpu.memory_space<vmem>> -> memref<128x128xf32, #tpu.memory_space<vmem>>
    %dma_wait3A_115 = arith.constant 128 : i32
    %dma_wait3A_116 = tpu.memref_slice %arg5[%dma_wait3A_115] : memref<512xi32, #tpu.memory_space<vmem>> -> memref<128xi32, #tpu.memory_space<vmem>>
    %dma_wait3A_117 = arith.constant 0 : i32
    %dma_wait3A_118 = arith.constant 0 : i32
    %dma_wait3A_119 = tpu.memref_slice %arg7[%dma_wait3A_117, %dma_wait3A_118] : memref<1000x128xf32, #tpu.memory_space<vmem_shared>> -> memref<1000x128xf32, #tpu.memory_space<vmem_shared>>
    %dma_wait3A_120 = tpu.memref_slice %arg8[%dma_wait3A_111] : memref<4x!tpu.dma_semaphore, #tpu.memory_space<semaphore_mem>> -> memref<1x!tpu.dma_semaphore, #tpu.memory_space<semaphore_mem>>
    %dma_wait3A_121 = tpu.memref_squeeze %dma_wait3A_120 : memref<1x!tpu.dma_semaphore, #tpu.memory_space<semaphore_mem>> -> memref<!tpu.dma_semaphore, #tpu.memory_space<semaphore_mem>>
    tpu.wait_indirect_dma semaphore(%dma_wait3A_121 : memref<!tpu.dma_semaphore, #tpu.memory_space<semaphore_mem>>) src(%dma_wait3A_119 : memref<1000x128xf32, #tpu.memory_space<vmem_shared>>) dst(%dma_wait3A_114 : memref<128x128xf32, #tpu.memory_space<vmem>>)
    %dma_start3A_122 = arith.constant 128 : i32
    %dma_start3A_123 = arith.constant 0 : i32
    %dma_start3A_124 = tpu.memref_slice %arg6[%dma_start3A_122, %dma_start3A_123] : memref<512x128xf32, #tpu.memory_space<vmem>> -> memref<128x128xf32, #tpu.memory_space<vmem>>
    %dma_start3A_125 = arith.constant 0 : i32
    %dma_start3A_126 = tpu.memref_slice %arg4[%add3A_43, %dma_start3A_125] : memref<16384x128xf32, #tpu.memory_space<hbm>> -> memref<128x128xf32, #tpu.memory_space<hbm>>
    %dma_start3A_127 = arith.constant 0 : i32
    %dma_start3A_128 = tpu.memref_slice %arg4[%add3A_43, %dma_start3A_127] : memref<16384x128xf32, #tpu.memory_space<hbm>> -> memref<128x128xf32, #tpu.memory_space<hbm>>
    %dma_start3A_129 = arith.constant 128 : i32
    %dma_start3A_130 = arith.constant 0 : i32
    %dma_start3A_131 = tpu.memref_slice %arg6[%dma_start3A_129, %dma_start3A_130] : memref<512x128xf32, #tpu.memory_space<vmem>> -> memref<128x128xf32, #tpu.memory_space<vmem>>
    tpu.enqueue_dma source(%dma_start3A_131 : memref<128x128xf32, #tpu.memory_space<vmem>>) target(%dma_start3A_128 : memref<128x128xf32, #tpu.memory_space<hbm>>) target_semaphore(%arg9 : memref<!tpu.dma_semaphore, #tpu.memory_space<semaphore_mem>>)
    %dma_wait3A_132 = arith.constant 2 : i32
    %dma_wait3A_133 = arith.constant 256 : i32
    %dma_wait3A_134 = arith.constant 0 : i32
    %dma_wait3A_135 = tpu.memref_slice %arg6[%dma_wait3A_133, %dma_wait3A_134] : memref<512x128xf32, #tpu.memory_space<vmem>> -> memref<128x128xf32, #tpu.memory_space<vmem>>
    %dma_wait3A_136 = arith.constant 256 : i32
    %dma_wait3A_137 = tpu.memref_slice %arg5[%dma_wait3A_136] : memref<512xi32, #tpu.memory_space<vmem>> -> memref<128xi32, #tpu.memory_space<vmem>>
    %dma_wait3A_138 = arith.constant 0 : i32
    %dma_wait3A_139 = arith.constant 0 : i32
    %dma_wait3A_140 = tpu.memref_slice %arg7[%dma_wait3A_138, %dma_wait3A_139] : memref<1000x128xf32, #tpu.memory_space<vmem_shared>> -> memref<1000x128xf32, #tpu.memory_space<vmem_shared>>
    %dma_wait3A_141 = tpu.memref_slice %arg8[%dma_wait3A_132] : memref<4x!tpu.dma_semaphore, #tpu.memory_space<semaphore_mem>> -> memref<1x!tpu.dma_semaphore, #tpu.memory_space<semaphore_mem>>
    %dma_wait3A_142 = tpu.memref_squeeze %dma_wait3A_141 : memref<1x!tpu.dma_semaphore, #tpu.memory_space<semaphore_mem>> -> memref<!tpu.dma_semaphore, #tpu.memory_space<semaphore_mem>>
    tpu.wait_indirect_dma semaphore(%dma_wait3A_142 : memref<!tpu.dma_semaphore, #tpu.memory_space<semaphore_mem>>) src(%dma_wait3A_140 : memref<1000x128xf32, #tpu.memory_space<vmem_shared>>) dst(%dma_wait3A_135 : memref<128x128xf32, #tpu.memory_space<vmem>>)
    %dma_start3A_143 = arith.constant 256 : i32
    %dma_start3A_144 = arith.constant 0 : i32
    %dma_start3A_145 = tpu.memref_slice %arg6[%dma_start3A_143, %dma_start3A_144] : memref<512x128xf32, #tpu.memory_space<vmem>> -> memref<128x128xf32, #tpu.memory_space<vmem>>
    %dma_start3A_146 = arith.constant 0 : i32
    %dma_start3A_147 = tpu.memref_slice %arg4[%add3A_45, %dma_start3A_146] : memref<16384x128xf32, #tpu.memory_space<hbm>> -> memref<128x128xf32, #tpu.memory_space<hbm>>
    %dma_start3A_148 = arith.constant 0 : i32
    %dma_start3A_149 = tpu.memref_slice %arg4[%add3A_45, %dma_start3A_148] : memref<16384x128xf32, #tpu.memory_space<hbm>> -> memref<128x128xf32, #tpu.memory_space<hbm>>
    %dma_start3A_150 = arith.constant 256 : i32
    %dma_start3A_151 = arith.constant 0 : i32
    %dma_start3A_152 = tpu.memref_slice %arg6[%dma_start3A_150, %dma_start3A_151] : memref<512x128xf32, #tpu.memory_space<vmem>> -> memref<128x128xf32, #tpu.memory_space<vmem>>
    tpu.enqueue_dma source(%dma_start3A_152 : memref<128x128xf32, #tpu.memory_space<vmem>>) target(%dma_start3A_149 : memref<128x128xf32, #tpu.memory_space<hbm>>) target_semaphore(%arg9 : memref<!tpu.dma_semaphore, #tpu.memory_space<semaphore_mem>>)
    %dma_wait3A_153 = arith.constant 3 : i32
    %dma_wait3A_154 = arith.constant 384 : i32
    %dma_wait3A_155 = arith.constant 0 : i32
    %dma_wait3A_156 = tpu.memref_slice %arg6[%dma_wait3A_154, %dma_wait3A_155] : memref<512x128xf32, #tpu.memory_space<vmem>> -> memref<128x128xf32, #tpu.memory_space<vmem>>
    %dma_wait3A_157 = arith.constant 384 : i32
    %dma_wait3A_158 = tpu.memref_slice %arg5[%dma_wait3A_157] : memref<512xi32, #tpu.memory_space<vmem>> -> memref<128xi32, #tpu.memory_space<vmem>>
    %dma_wait3A_159 = arith.constant 0 : i32
    %dma_wait3A_160 = arith.constant 0 : i32
    %dma_wait3A_161 = tpu.memref_slice %arg7[%dma_wait3A_159, %dma_wait3A_160] : memref<1000x128xf32, #tpu.memory_space<vmem_shared>> -> memref<1000x128xf32, #tpu.memory_space<vmem_shared>>
    %dma_wait3A_162 = tpu.memref_slice %arg8[%dma_wait3A_153] : memref<4x!tpu.dma_semaphore, #tpu.memory_space<semaphore_mem>> -> memref<1x!tpu.dma_semaphore, #tpu.memory_space<semaphore_mem>>
    %dma_wait3A_163 = tpu.memref_squeeze %dma_wait3A_162 : memref<1x!tpu.dma_semaphore, #tpu.memory_space<semaphore_mem>> -> memref<!tpu.dma_semaphore, #tpu.memory_space<semaphore_mem>>
    tpu.wait_indirect_dma semaphore(%dma_wait3A_163 : memref<!tpu.dma_semaphore, #tpu.memory_space<semaphore_mem>>) src(%dma_wait3A_161 : memref<1000x128xf32, #tpu.memory_space<vmem_shared>>) dst(%dma_wait3A_156 : memref<128x128xf32, #tpu.memory_space<vmem>>)
    %dma_start3A_164 = arith.constant 384 : i32
    %dma_start3A_165 = arith.constant 0 : i32
    %dma_start3A_166 = tpu.memref_slice %arg6[%dma_start3A_164, %dma_start3A_165] : memref<512x128xf32, #tpu.memory_space<vmem>> -> memref<128x128xf32, #tpu.memory_space<vmem>>
    %dma_start3A_167 = arith.constant 0 : i32
    %dma_start3A_168 = tpu.memref_slice %arg4[%add3A_47, %dma_start3A_167] : memref<16384x128xf32, #tpu.memory_space<hbm>> -> memref<128x128xf32, #tpu.memory_space<hbm>>
    %dma_start3A_169 = arith.constant 0 : i32
    %dma_start3A_170 = tpu.memref_slice %arg4[%add3A_47, %dma_start3A_169] : memref<16384x128xf32, #tpu.memory_space<hbm>> -> memref<128x128xf32, #tpu.memory_space<hbm>>
    %dma_start3A_171 = arith.constant 384 : i32
    %dma_start3A_172 = arith.constant 0 : i32
    %dma_start3A_173 = tpu.memref_slice %arg6[%dma_start3A_171, %dma_start3A_172] : memref<512x128xf32, #tpu.memory_space<vmem>> -> memref<128x128xf32, #tpu.memory_space<vmem>>
    tpu.enqueue_dma source(%dma_start3A_173 : memref<128x128xf32, #tpu.memory_space<vmem>>) target(%dma_start3A_170 : memref<128x128xf32, #tpu.memory_space<hbm>>) target_semaphore(%arg9 : memref<!tpu.dma_semaphore, #tpu.memory_space<semaphore_mem>>)
    %dma_wait3A_174 = arith.constant 0 : i32
    %dma_wait3A_175 = arith.constant 0 : i32
    %dma_wait3A_176 = tpu.memref_slice %arg6[%dma_wait3A_174, %dma_wait3A_175] : memref<512x128xf32, #tpu.memory_space<vmem>> -> memref<128x128xf32, #tpu.memory_space<vmem>>
    %dma_wait3A_177 = arith.constant 0 : i32
    %dma_wait3A_178 = tpu.memref_slice %arg4[%add3A_41, %dma_wait3A_177] : memref<16384x128xf32, #tpu.memory_space<hbm>> -> memref<128x128xf32, #tpu.memory_space<hbm>>
    %dma_wait3A_179 = arith.constant 0 : i32
    %dma_wait3A_180 = tpu.memref_slice %arg4[%add3A_41, %dma_wait3A_179] : memref<16384x128xf32, #tpu.memory_space<hbm>> -> memref<128x128xf32, #tpu.memory_space<hbm>>
    %dma_wait3A_181 = arith.constant 0 : i32
    %dma_wait3A_182 = arith.constant 0 : i32
    %dma_wait3A_183 = tpu.memref_slice %arg6[%dma_wait3A_181, %dma_wait3A_182] : memref<512x128xf32, #tpu.memory_space<vmem>> -> memref<128x128xf32, #tpu.memory_space<vmem>>
    tpu.wait_dma2 semaphore(%arg9 : memref<!tpu.dma_semaphore, #tpu.memory_space<semaphore_mem>>) src(%dma_wait3A_183 : memref<128x128xf32, #tpu.memory_space<vmem>>) dst(%dma_wait3A_180 : memref<128x128xf32, #tpu.memory_space<hbm>>)
    %dma_wait3A_184 = arith.constant 128 : i32
    %dma_wait3A_185 = arith.constant 0 : i32
    %dma_wait3A_186 = tpu.memref_slice %arg6[%dma_wait3A_184, %dma_wait3A_185] : memref<512x128xf32, #tpu.memory_space<vmem>> -> memref<128x128xf32, #tpu.memory_space<vmem>>
    %dma_wait3A_187 = arith.constant 0 : i32
    %dma_wait3A_188 = tpu.memref_slice %arg4[%add3A_43, %dma_wait3A_187] : memref<16384x128xf32, #tpu.memory_space<hbm>> -> memref<128x128xf32, #tpu.memory_space<hbm>>
    %dma_wait3A_189 = arith.constant 0 : i32
    %dma_wait3A_190 = tpu.memref_slice %arg4[%add3A_43, %dma_wait3A_189] : memref<16384x128xf32, #tpu.memory_space<hbm>> -> memref<128x128xf32, #tpu.memory_space<hbm>>
    %dma_wait3A_191 = arith.constant 128 : i32
    %dma_wait3A_192 = arith.constant 0 : i32
    %dma_wait3A_193 = tpu.memref_slice %arg6[%dma_wait3A_191, %dma_wait3A_192] : memref<512x128xf32, #tpu.memory_space<vmem>> -> memref<128x128xf32, #tpu.memory_space<vmem>>
    tpu.wait_dma2 semaphore(%arg9 : memref<!tpu.dma_semaphore, #tpu.memory_space<semaphore_mem>>) src(%dma_wait3A_193 : memref<128x128xf32, #tpu.memory_space<vmem>>) dst(%dma_wait3A_190 : memref<128x128xf32, #tpu.memory_space<hbm>>)
    %dma_wait3A_194 = arith.constant 256 : i32
    %dma_wait3A_195 = arith.constant 0 : i32
    %dma_wait3A_196 = tpu.memref_slice %arg6[%dma_wait3A_194, %dma_wait3A_195] : memref<512x128xf32, #tpu.memory_space<vmem>> -> memref<128x128xf32, #tpu.memory_space<vmem>>
    %dma_wait3A_197 = arith.constant 0 : i32
    %dma_wait3A_198 = tpu.memref_slice %arg4[%add3A_45, %dma_wait3A_197] : memref<16384x128xf32, #tpu.memory_space<hbm>> -> memref<128x128xf32, #tpu.memory_space<hbm>>
    %dma_wait3A_199 = arith.constant 0 : i32
    %dma_wait3A_200 = tpu.memref_slice %arg4[%add3A_45, %dma_wait3A_199] : memref<16384x128xf32, #tpu.memory_space<hbm>> -> memref<128x128xf32, #tpu.memory_space<hbm>>
    %dma_wait3A_201 = arith.constant 256 : i32
    %dma_wait3A_202 = arith.constant 0 : i32
    %dma_wait3A_203 = tpu.memref_slice %arg6[%dma_wait3A_201, %dma_wait3A_202] : memref<512x128xf32, #tpu.memory_space<vmem>> -> memref<128x128xf32, #tpu.memory_space<vmem>>
    tpu.wait_dma2 semaphore(%arg9 : memref<!tpu.dma_semaphore, #tpu.memory_space<semaphore_mem>>) src(%dma_wait3A_203 : memref<128x128xf32, #tpu.memory_space<vmem>>) dst(%dma_wait3A_200 : memref<128x128xf32, #tpu.memory_space<hbm>>)
    %dma_wait3A_204 = arith.constant 384 : i32
    %dma_wait3A_205 = arith.constant 0 : i32
    %dma_wait3A_206 = tpu.memref_slice %arg6[%dma_wait3A_204, %dma_wait3A_205] : memref<512x128xf32, #tpu.memory_space<vmem>> -> memref<128x128xf32, #tpu.memory_space<vmem>>
    %dma_wait3A_207 = arith.constant 0 : i32
    %dma_wait3A_208 = tpu.memref_slice %arg4[%add3A_47, %dma_wait3A_207] : memref<16384x128xf32, #tpu.memory_space<hbm>> -> memref<128x128xf32, #tpu.memory_space<hbm>>
    %dma_wait3A_209 = arith.constant 0 : i32
    %dma_wait3A_210 = tpu.memref_slice %arg4[%add3A_47, %dma_wait3A_209] : memref<16384x128xf32, #tpu.memory_space<hbm>> -> memref<128x128xf32, #tpu.memory_space<hbm>>
    %dma_wait3A_211 = arith.constant 384 : i32
    %dma_wait3A_212 = arith.constant 0 : i32
    %dma_wait3A_213 = tpu.memref_slice %arg6[%dma_wait3A_211, %dma_wait3A_212] : memref<512x128xf32, #tpu.memory_space<vmem>> -> memref<128x128xf32, #tpu.memory_space<vmem>>
    tpu.wait_dma2 semaphore(%arg9 : memref<!tpu.dma_semaphore, #tpu.memory_space<semaphore_mem>>) src(%dma_wait3A_213 : memref<128x128xf32, #tpu.memory_space<vmem>>) dst(%dma_wait3A_210 : memref<128x128xf32, #tpu.memory_space<hbm>>)
    return
  }
}

</mosaic_0001>

<sc_bundles>
// kernel: kernel.3.cloned.1.call-start
scs
__scs_entry_jumppad:
0x0: {  	(pc) =	sbr.rel $0x88, $3  }
0x1: {  	(tag) =	ssettag $0x0;
	lr =	simm.s32 $0x1  }
0x2: {  	[smem:$0x3F9F] =	sst lr;
	_ =	strace $0xD0000000  }
0x3: {  	_ = 	snop  }
0x4: {  	_ = 	snop  }
0x5: {  	_ = 	snop  }
0x6: {  	_ = 	snop  }
0x7: {  	_ = 	snop  }
__scs_overlays_trampoline_lowered:
0x8: {  	[smem:$0x3FAE] =	sst s0  }
0x9: {  	[smem:$0x3FAF] =	sst s1  }
0xa: {  	[smem:$0x3FB0] =	sst s2  }
0xb: {  	[smem:$0x3FB1] =	sst s3  }
0xc: {  	[smem:$0x3FB2] =	sst s4  }
0xd: {  	[smem:$0x3FB3] =	sst s5  }
0xe: {  	[smem:$0x3FB4] =	sst s6  }
0xf: {  	[smem:$0x3FB5] =	sst s7  }
0x10: {  	[smem:$0x3FB6] =	sst s8  }
0x11: {  	[smem:$0x3FB7] =	sst s9;
	s0 =	simm.s32 @!p0 $0x0  }
0x12: {  	s1 =	sld [smem:$0x3F9D];
	s0 =	simm.s32 @p0 $0x1  }
0x13: {  	[smem:$0x3FB8] =	sst s0;
	s0 =	simm.s32 @!p1 $0x0  }
0x14: {  	s2 =	sld [smem:$0x3F9C];
	s0 =	simm.s32 @p1 $0x1  }
0x15: {  	[smem:$0x3FB9] =	sst s0;
	s0 =	simm.s32 @!p2 $0x0  }
0x16: {  	s3 =	sld [smem:$0x3FDB];
	s0 =	simm.s32 @p2 $0x1  }
0x17: {  	s4 =	simm.s32 $0x1BF5;
	[smem:$0x3FBB] =	sst s0  }
0x18: {  	s0 =	sld [smem:$0x3F9E];
	_ =	swait.ge [sflag:s4], $0x0  }
0x19: {  	s7 =	sld [smem:$0x3F9F]  }
0x1a: {  	s8 =	sadd.s32 $0xFFFFE003, lr  }
0x1b: {  	s9 =	sadd.s32 $0xFFFFFEF7, lr;
	s5 =	simm.s32 $0xFFFFFFFF;
	p2 =	slt.u32 s8, $0xFFFFF086  }
0x1c: {  	p1 =	slt.u32 s9, $0xF7A;
	s5 =	simm.s32 @!p2 $0x0  }
0x1d: {  	s5 =	simm.s32 @p1 $0x1;
	p0 =	seq.s32 s7, s2  }
0x1e: {  	s7 =	smul.u32 @!p0 $0xF7A, s2;
	p2 =	seq.s32 @!p0 s5, $0x0  }
0x1f: {  	s9 =	smul.u32 $0xF7A, s1;
	s8 =	simm.s32 @!p0 $0x1BF5;
	p2 =	por !p2, p0  }
0x20: {  	[sflag:s8] =	ssyncset.s32 @!p0 $0xFFFFF086;
	s6 =	sadd.s32 @!p0 s3, s7;
	s7 =	simm.s32 @!p0 $0x108  }
0x21: {  	s3 =	sadd.s32 s3, s9;
	s6 =	sadd.s32 @!p0 $0x88, s6;
	s7 =	simm.s32 @p2 $0x1082  }
0x22: {  	[simem:s7], [sflag:s8] =	dma.local @!p0 [hbm:s6], $0xF7A  }
0x23: {  	s9 =	sor.u32 $0xD0000000, s2;
	s6 =	simm.s32 $0x108;
	_ =	swait.ge @!p0 [sflag:s8], $0x0  }
0x24: {  	s3 =	sadd.s32 $0x88, s3;
	s6 =	simm.s32 @!p1 $0x1082;
	[sflag:s4] =	ssyncset.s32 $0xFFFFF086  }
0x25: {  	[simem:s6], [sflag:s4] =	dma.local [hbm:s3], $0xF7A  }
0x26: {  	[smem:$0x3F9F] =	sst s1;
	(tag) =	ssettag s2;
	_ =	strace s9  }
0x27: {  	s1 =	sld [smem:$0x3FAF]  }
0x28: {  	s2 =	sld [smem:$0x3FB0]  }
0x29: {  	s4 =	sld [smem:$0x3FB2]  }
0x2a: {  	p0 =	seq.s32 s5, $0x0;
	s5 =	sld [smem:$0x3FB3]  }
0x2b: {  	s6 =	sld [smem:$0x3FB4]  }
0x2c: {  	s7 =	sld [smem:$0x3FB5]  }
0x2d: {  	s3 =	simm.s32 $0x108;
	s8 =	sld [smem:$0x3FB6]  }
0x2e: {  	s3 =	simm.s32 @!p0 $0x1082;
	s9 =	sld [smem:$0x3FB7]  }
0x2f: {  	lr =	sadd.s32 s0, s3;
	s0 =	sld [smem:$0x3FAE]  }
0x30: {  	s3 =	sld [smem:$0x3FB1]  }
0x31: {  	[smem:$0x3FBA] =	sst s10  }
0x32: {  	s10 =	sld [smem:$0x3FB8];
	_ =	sdelay $0x3  }
0x33: {  	p0 =	seq.s32 s10, $0x1;
	s10 =	sld [smem:$0x3FBA];
	_ =	sdelay $0x3  }
0x34: {  	[smem:$0x3FBA] =	sst s10  }
0x35: {  	s10 =	sld [smem:$0x3FB9];
	_ =	sdelay $0x3  }
0x36: {  	p1 =	seq.s32 s10, $0x1;
	s10 =	sld [smem:$0x3FBA];
	_ =	sdelay $0x3  }
0x37: {  	[smem:$0x3FBA] =	sst s10  }
0x38: {  	s10 =	sld [smem:$0x3FBB]  }
0x39: {  	_ = 	snop;
	(pc) =	sbr.ind lr, $3  }
0x3a: {  	_ = 	snop  }
0x3b: {  	_ = 	snop  }
0x3c: {  	p2 =	seq.s32 s10, $0x1;
	s10 =	sld [smem:$0x3FBA]  }
0x3d: {  	_ =	shalt  }
0x3e: {  	_ =	shalt  }
0x3f: {  	_ =	shalt  }
0x40: {  	_ =	shalt  }
0x41: {  	_ =	shalt  }
0x42: {  	_ =	shalt  }
0x43: {  	_ =	shalt  }
0x44: {  	_ =	shalt  }
0x45: {  	_ =	shalt  }
0x46: {  	_ =	shalt  }
0x47: {  	_ =	shalt  }
0x48: {  	_ =	shalt  }
0x49: {  	_ =	shalt  }
0x4a: {  	_ =	shalt  }
0x4b: {  	_ =	shalt  }
0x4c: {  	_ =	shalt  }
0x4d: {  	_ =	shalt  }
0x4e: {  	_ =	shalt  }
0x4f: {  	_ =	shalt  }
0x50: {  	_ =	shalt  }
0x51: {  	_ =	shalt  }
0x52: {  	_ =	shalt  }
0x53: {  	_ =	shalt  }
0x54: {  	_ =	shalt  }
0x55: {  	_ =	shalt  }
0x56: {  	_ =	shalt  }
0x57: {  	_ =	shalt  }
0x58: {  	_ =	shalt  }
0x59: {  	_ =	shalt  }
0x5a: {  	_ =	shalt  }
0x5b: {  	_ =	shalt  }
0x5c: {  	_ =	shalt  }
0x5d: {  	_ =	shalt  }
0x5e: {  	_ =	shalt  }
0x5f: {  	_ =	shalt  }
0x60: {  	_ =	shalt  }
0x61: {  	_ =	shalt  }
0x62: {  	_ =	shalt  }
0x63: {  	_ =	shalt  }
0x64: {  	_ =	shalt  }
0x65: {  	_ =	shalt  }
0x66: {  	_ =	shalt  }
0x67: {  	_ =	shalt  }
0x68: {  	_ =	shalt  }
0x69: {  	_ =	shalt  }
0x6a: {  	_ =	shalt  }
0x6b: {  	_ =	shalt  }
0x6c: {  	_ =	shalt  }
0x6d: {  	_ =	shalt  }
0x6e: {  	_ =	shalt  }
0x6f: {  	_ =	shalt  }
0x70: {  	_ =	shalt  }
0x71: {  	_ =	shalt  }
0x72: {  	_ =	shalt  }
0x73: {  	_ =	shalt  }
0x74: {  	_ =	shalt  }
0x75: {  	_ =	shalt  }
0x76: {  	_ =	shalt  }
0x77: {  	_ =	shalt  }
0x78: {  	_ =	shalt  }
0x79: {  	_ =	shalt  }
0x7a: {  	_ =	shalt  }
0x7b: {  	_ =	shalt  }
0x7c: {  	_ =	shalt  }
0x7d: {  	_ =	shalt  }
0x7e: {  	_ =	shalt  }
0x7f: {  	_ =	shalt  }
0x80: {  	_ =	shalt  }
0x81: {  	_ =	shalt  }
0x82: {  	_ =	shalt  }
0x83: {  	_ =	shalt  }
0x84: {  	_ =	shalt  }
0x85: {  	_ =	shalt  }
0x86: {  	_ =	shalt  }
0x87: {  	_ =	shalt  }
.Lfunc_end0:
.L_simem_size_0:
called_computation_lowered:
.L_overlay_start_0:
0x88: {  	s2 =	sld [smem:$0x3FD9]  }
0x89: {  	s3 =	sld [smem:$0x3FFE];
	_ =	sdelay $0x1  }
0x8a: {  	s1 =	srdreg.scid  }
0x8b: {  	s0 =	sand.u32 $0x1, s1  }
0x8c: {  	s18 =	sshll.u32 s0, $0xA;
	s2 =	sadd.s32 s3, s2  }
0x8d: {  	s2 =	sadd.s32 s2, s18  }
0x8e: {  	[smem:$0x3FC6] =	sst s2  }
0x8f: {  	_ = 	snop  }
0x90: {  	s2 =	sld [smem:$0x3FC9]  }
0x91: {  	s19 =	sld [smem:$0x3FC8]  }
0x92: {  	s4 =	sld [smem:$0x3FD0];
	(tm) =	ssettm $0x1  }
0x93: {  	s5 =	sld [smem:$0x3FFB];
	_ =	sdelay $0x3  }
0x94: {  	_ =	strace s5  }
0x95: {  	s5 =	sld [smem:$0x3FFC];
	_ =	sdelay $0x3  }
0x96: {  	_ =	strace s5  }
0x97: {  	s5 =	sld [smem:$0x3FFD];
	_ =	sdelay $0x3  }
0x98: {  	_ =	strace s5  }
0x99: {  	_ =	strace $0x8FFFFFFF  }
0x9a: {  	s20 =	sld [smem:$0x3FDB];
	_ =	sdelay $0x1  }
0x9b: {  	s6 =	simm.s32 $_scs_section_size  }
0x9c: {  	s7 =	simm.s32 $_size__tile_overlayer_lowered;
	s8 =	simm.s32 $_tile_overlayer_lowered  }
0x9d: {  	s23 =	simm.s32 $0x1BFF;
	s22 =	sshll.u32 s8, $0x1;
	s5 =	sadd.s32 s6, s20  }
0x9e: {  	s9 =	simm.s32 $0x0;
	s21 =	sshll.u32 s7, $0x1;
	s7 =	sadd.s32 s22, s5  }
0x9f: {  	[timem:s9], [sflag:s23] =	dma.local [hbm:s7], s21  }
0xa0: {  	_ =	swait.ge [sflag:s23], s21  }
0xa1: {  	s6 =	ssub.s32 $0x0, s21;
	[sflag:s23] =	ssyncset.done $0x0  }
0xa2: {  	[sflag:s23] =	ssyncadd.s32 s6;
	_ =	sdelay $0x1  }
0xa3: {  	s24 =	simm.s32 $0x1B8B  }
0xa4: {  	_ =	swait.ge [sflag:s24], $0x1  }
0xa5: {  	[sflag:s24] =	ssyncset.done $0x0  }
0xa6: {  	s25 =	simm.s32 $0x1B8E;
	[sflag:s24] =	ssyncadd.s32 $0xFFFFFFFF  }
0xa7: {  	s26 =	simm.s32 $execute0_lowered;
	[smem:$0x3FD2] =	sst s25  }
0xa8: {  	s6 =	sshll.u32 s26, $0x1;
	_ =	strace $0x80000046;
	[dreg:$0x1] =	wrdreg $0xFFFFFFFF  }
0xa9: {  	s28 =	simm.s32 $_size_execute0_lowered;
	s5 =	sadd.s32 s5, s6;
	[dreg:$0x0] =	wrdreg $0x0  }
0xaa: {  	s6 =	sshll.u32 s28, $0x1;
	[dreg:$0x2] =	wrdreg s5  }
0xab: {  	[dreg:$0x3] =	wrdreg s6  }
0xac: {  	[dreg:$0x4] =	wrdreg $0xC0  }
0xad: {  	_ =	task [dreg:s9], $0x5FFFF  }
0xae: {  	[dreg:$0x1] =	wrdreg $0xFFFFFFFF  }
0xaf: {  	[dreg:$0x0] =	wrdreg $0x60  }
0xb0: {  	[dreg:$0x2] =	wrdreg s2  }
0xb1: {  	[dreg:$0x3] =	wrdreg s19  }
0xb2: {  	[dreg:$0x4] =	wrdreg s4  }
0xb3: {  	[dreg:$0x5] =	wrdreg $0x102000  }
0xb4: {  	[dreg:$0x6] =	wrdreg $0x9  }
0xb5: {  	_ =	task.clear_ibuf [dreg:s9], $0x7FFFF;
	_ =	strace $0x90000046  }
0xb6: {  	s29 =	simm.s32 $0x9;
	_ =	strace $0x80000048  }
0xb7: {  	_ =	swait.ge [sflag:s29], $0x1  }
0xb8: {  	[sflag:s29] =	ssyncadd.s32 $0xFFFFFFFF  }
0xb9: {  	_ =	strace $0x90000048  }
0xba: {  	_ =	sfence  }
0xbb: {  	s30 =	sld [smem:$0x0];
	_ =	sdelay $0x2  }
0xbc: {  	s31 =	sshll.u32 s1, $0xD;
	s1 =	sshrl.u32 s1, $0x2  }
0xbd: {  	s3 =	sand.u32 $0x4000, s31;
	s1 =	sadd.s32 s1, s30  }
0xbe: {  	s0 =	sor.u32 s3, s0;
	s1 =	sshll.u32 s1, $0x11  }
0xbf: {  	s0 =	sor.u32 s1, s0  }
0xc0: {  	s0 =	sadd.s32 $0x8F2B, s0  }
0xc1: {  	[sflag:s0] =	ssyncadd.remote.s32 $0x1  }
0xc2: {  	_ =	sfence.sel $0xFFFF  }
0xc3: {  	[dreg:$0x0] =	wrdreg $0xFFFFFFFF;
	(pc) =	sbr.abs _section_cstart, $3  }
0xc4: {  	[dreg:$0x1] =	wrdreg $0xFFFFFFFF  }
0xc5: {  	_ =	task.clear_ibuf [dreg:s9], $0x2FFFF;
	_ =	strace $0x9FFFFFFF  }
0xc6: {  	(tm) =	ssettm $0x7FFFFFFF  }
0xc7: {  	_ =	shalt  }
tec
execute0_lowered:
.L_overlay_start_1:
0x0: {  	(tag) =	ssettag $0x1  }
0x1: {  	s11 =	stileid.u32  }
0x2: {  	p3 =	sgt.s32 s11, $0x1  }
0x3: {  	p0 =	seq.s32 @p3 s11, $0x2  }
0x4: {  	p1 =	por p0, !p3  }
0x5: {  	p2 =	por !p0, !p3;
	p1 =	seq.s32 @!p1 s11, $0x3  }
0x6: {  	s2 =	simm.s32 @!p2 $0x0;
	p0 =	por @p3 !p1, p0  }
0x7: {  	s2 =	simm.s32 @p2 $0x1;
	p0 =	por p0, !p3  }
0x8: {  	[smem:$0x7FB] =	sst s2;
	s2 =	simm.s32 @!p0 $0x0  }
0x9: {  	s2 =	simm.s32 @p0 $0x1;
	p0 =	sgt.s32 s11, $0x5  }
0xa: {  	p6 =	seq.s32 @!p0 s11, $0x4  }
0xb: {  	p1 =	por p6, p0  }
0xc: {  	p4 =	seq.s32 @!p3 s11, $0x0;
	s3 =	simm.s32 @!p1 $0x0  }
0xd: {  	s0 =	rddreg [dreg:$0x0];
	p2 =	por p4, p3;
	s3 =	simm.s32 @p1 $0x1  }
0xe: {  	p5 =	seq.s32 @!p2 s11, $0x1;
	p2 =	por !p4, p3;
	[smem:$0x7F9] =	sst s3  }
0xf: {  	p4 =	por @!p3 !p5, p4;
	p5 =	seq.s32 @p0 s11, $0x6;
	s3 =	sld [smem:$0x7F9]  }
0x10: {  	s13 =	rddreg [dreg:$0x1];
	p3 =	por p4, p3;
	p4 =	por p5, !p0  }
0x11: {  	s1 =	rddreg [dreg:$0x2];
	s20 =	srdreg.scid;
	p4 =	seq.s32 @!p4 s11, $0x7  }
0x12: {  	p1 =	por @p0 !p4, p5;
	p4 =	por !p5, !p0;
	p5 =	seq.s32 s3, $0x1  }
0x13: {  	s4 =	simm.s32 $0x0;
	s18 =	simm.s32 $0x6;
	p5 =	seq.s32 @!p5 s11, $0x5  }
0x14: {  	s28 =	simm.s32 $0x80;
	s29 =	simm.s32 $0x200;
	s3 =	simm.s32 @!p5 $0x0  }
0x15: {  	s30 =	simm.s32 $0x4200;
	[smem:$0x7FF] =	sst s4;
	s3 =	simm.s32 @p5 $0x1  }
0x16: {  	s31 =	simm.s32 $0x100;
	s5 =	sshll.u32 s11, $0xA;
	[smem:$0x7FA] =	sst s3  }
0x17: {  	s22 =	sadd.s32 $0x3800, s13;
	s8 =	sadd.s32 $0x3000, s13;
	s3 =	sld [smem:$0x7FA]  }
0x18: {  	s9 =	sadd.s32 $0x2800, s13;
	s10 =	sadd.s32 $0x2000, s13;
	s12 =	sadd.s32 $0x1800, s13  }
0x19: {  	s23 =	sadd.s32 $0x1000, s13;
	s24 =	sadd.s32 $0x800, s13;
	[smem:$0x7FC] =	sst s2  }
0x1a: {  	p5 =	por p1, !p0;
	p1 =	seq.s32 s3, $0x1;
	s3 =	rddreg [dreg:$0x3]  }
0x1b: {  	s2 =	sand.u32 $0x1, s20;
	_ =	strace $0x80000047;
	[dreg:$0x5] =	wrdreg s22  }
0x1c: {  	s6 =	sshll.u32 s2, $0x9;
	s2 =	ssub.s32 $0x2, s2;
	[dreg:$0x6] =	wrdreg s8  }
0x1d: {  	s6 =	sor.u32 s6, s5;
	s21 =	sshrl.u32 s2, $0x1;
	[dreg:$0x7] =	wrdreg s9  }
0x1e: {  	s7 =	sshrl.u32 s6, $0x3;
	s2 =	ssub.s32 s2, s21;
	[dreg:$0x8] =	wrdreg s10  }
0x1f: {  	s6 =	sshll.u32 s6, $0x4;
	s5 =	sadd.s32 s0, s7;
	[dreg:$0x9] =	wrdreg s12  }
0x20: {  	s17 =	smax.u32 s2, $0x1;
	s2 =	simm.s32 $0x8200;
	[dreg:$0xa] =	wrdreg s23  }
0x21: {  	s12 =	sadd.s32 s1, s6;
	[dreg:$0xb] =	wrdreg s24;
	s1 =	simm.s32 $0xC200  }
0x22: {  	s6 =	simm.s32 $0x1;
	p1 =	por @!p0 !p1, p6;
	p6 =	por !p6, p0  }
0x23: {  	s0 =	sadd.s32 $0x1C000, s3;
	s7 =	sadd.s32 $0x18000, s3;
	s8 =	sadd.s32 $0x14000, s3  }
0x24: {  	s9 =	sadd.s32 $0x10000, s3;
	s10 =	sadd.s32 $0xC000, s3;
	s19 =	sadd.s32 $0x8000, s3  }
0x25: {  	s21 =	sadd.s32 $0x4000, s3;
	s14 =	sadd.s32 $0x800, s12;
	s25 =	sld [smem:$0x7FB]  }
0x26: {  	s15 =	sadd.s32 $0x1000, s12;
	s16 =	sadd.s32 $0x1800, s12;
	s26 =	sld [smem:$0x7FC]  }
0x27: {  	p0 =	por p1, p0;
	s21 =	sshrl.u32 @!p3 s21, $0x3;
	s22 =	sshrl.u32 @!p4 s7, $0x3  }
0x28: {  	s23 =	sshrl.u32 @!p5 s0, $0x3;
	s24 =	sshrl.u32 @!p6 s9, $0x3;
	p1 =	seq.s32 s25, $0x1  }
.Ltmp0:
0x29: {  	s19 =	sshrl.u32 @!p1 s19, $0x3;
	p1 =	seq.s32 s26, $0x1;
	(pc) =	sbr.rel .LBB2_1-.Ltmp0, $4  }
0x2a: {  	s7 =	simm.s32 $0x2;
	s20 =	sshrl.u32 @!p1 s10, $0x3;
	p1 =	sgt.s32 s11, $0x3  }
0x2b: {  	s9 =	simm.s32 $0x4;
	s25 =	sshrl.u32 @!p0 s8, $0x3;
	s0 =	simm.s32 @!p1 $0x0  }
0x2c: {  	s8 =	simm.s32 $0x3;
	s26 =	sshrl.u32 @!p2 s3, $0x3;
	s0 =	simm.s32 @p1 $0x1  }
0x2d: {  	s10 =	simm.s32 $0x5;
	[smem:$0x7FD] =	sst s0;
	s0 =	simm.s32 $0x180  }
.LBB2_3:
0x2e: {  	s11 =	simm.s32 @!p4 $0x1D86;
	s13 =	rddreg [dreg:$0x6]  }
0x2f: {  	[spmem:s22], [sflag:s11] =	dma.local @!p4 [hbm:s13], $0x800  }
0x30: {  	s11 =	simm.s32 @!p4 $0x6  }
0x31: {  	_ =	swait.ge @!p4 [sflag:s11], $0x800  }
0x32: {  	[sflag:s11] =	ssyncset.done @!p4 $0x0  }
0x33: {  	s13 =	rddreg [dreg:$0x5];
	[sflag:s11] =	ssyncadd.s32 @!p4 $0xFFFFF800;
	s11 =	simm.s32 @!p5 $0x1DC6  }
0x34: {  	[spmem:s23], [sflag:s11] =	dma.local @!p5 [hbm:s13], $0x680  }
0x35: {  	s11 =	simm.s32 @!p5 $0x6  }
0x36: {  	_ =	swait.ge @!p5 [sflag:s11], $0x680  }
0x37: {  	[sflag:s11] =	ssyncset.done @!p5 $0x0  }
0x38: {  	s13 =	rddreg [dreg:$0x8];
	[sflag:s11] =	ssyncadd.s32 @!p5 $0xFFFFF980;
	s11 =	simm.s32 @!p6 $0x1D06  }
0x39: {  	[spmem:s24], [sflag:s11] =	dma.local @!p6 [hbm:s13], $0x800  }
0x3a: {  	s11 =	simm.s32 @!p6 $0x6  }
0x3b: {  	_ =	swait.ge @!p6 [sflag:s11], $0x800  }
0x3c: {  	[sflag:s11] =	ssyncset.done @!p6 $0x0  }
0x3d: {  	s13 =	rddreg [dreg:$0x7];
	[sflag:s11] =	ssyncadd.s32 @!p6 $0xFFFFF800;
	s11 =	simm.s32 @!p0 $0x1D46  }
0x3e: {  	[spmem:s25], [sflag:s11] =	dma.local @!p0 [hbm:s13], $0x800  }
0x3f: {  	s11 =	simm.s32 @!p0 $0x6  }
0x40: {  	_ =	swait.ge @!p0 [sflag:s11], $0x800  }
0x41: {  	[sflag:s11] =	ssyncset.done @!p0 $0x0  }
0x42: {  	[sflag:s11] =	ssyncadd.s32 @!p0 $0xFFFFF800  }
.LBB2_4:
0x43: {  	[bflag:$0x0] =	sbarrier.arrive $0xFFFF  }
0x44: {  	[tilespmem:s29], [sflag:$0x1] =	stream.indirect.gather [spmem:s3], $0x80, s4, s28, $0xb8;
	[tilespmem:$0x12140] =	vst v63  }
0x45: {  	_ = 	snop  }
0x46: {  	[tilespmem:s30], [sflag:$0x2] =	stream.indirect.gather [spmem:s3], $0x80, s28, s28, $0xb8;
	[tilespmem:$0x12140] =	vst v63  }
0x47: {  	_ = 	snop  }
0x48: {  	[tilespmem:s2], [sflag:$0x3] =	stream.indirect.gather [spmem:s3], $0x80, s31, s28, $0xb8;
	[tilespmem:$0x12140] =	vst v63  }
0x49: {  	_ = 	snop  }
0x4a: {  	[tilespmem:s1], [sflag:$0x4] =	stream.indirect.gather [spmem:s3], $0x80, s0, s28, $0xb8;
	[tilespmem:$0x12140] =	vst v63  }
0x4b: {  	_ =	swait.ge [sflag:s6], $0x4000  }
0x4c: {  	[sflag:s6] =	ssyncset.done $0x0  }
0x4d: {  	[sflag:s6] =	ssyncadd.s32 $0xFFFFC000  }
0x4e: {  	[hbm4b:s12+s4] =	stream.linear.scatter [tilespmem:s29], [sflag:$0x5], $0x4000, $0x38;
	[tilespmem:$0x12140] =	vst v63  }
0x4f: {  	_ =	swait.ge [sflag:s7], $0x4000  }
0x50: {  	[sflag:s7] =	ssyncset.done $0x0  }
0x51: {  	[sflag:s7] =	ssyncadd.s32 $0xFFFFC000  }
0x52: {  	[hbm4b:s14+s4] =	stream.linear.scatter [tilespmem:s30], [sflag:$0x5], $0x4000, $0x38;
	[tilespmem:$0x12140] =	vst v63  }
0x53: {  	_ =	swait.ge [sflag:s8], $0x4000  }
0x54: {  	[sflag:s8] =	ssyncset.done $0x0  }
0x55: {  	[sflag:s8] =	ssyncadd.s32 $0xFFFFC000  }
0x56: {  	[hbm4b:s15+s4] =	stream.linear.scatter [tilespmem:s2], [sflag:$0x5], $0x4000, $0x38;
	[tilespmem:$0x12140] =	vst v63  }
0x57: {  	_ =	swait.ge [sflag:s9], $0x4000  }
0x58: {  	[sflag:s9] =	ssyncset.done $0x0  }
0x59: {  	[sflag:s9] =	ssyncadd.s32 $0xFFFFC000  }
0x5a: {  	[hbm4b:s16+s4] =	stream.linear.scatter [tilespmem:s1], [sflag:$0x5], $0x4000, $0x38;
	[tilespmem:$0x12140] =	vst v63  }
0x5b: {  	_ =	swait.ge [sflag:s10], $0x4000  }
0x5c: {  	[sflag:s10] =	ssyncset.done $0x0  }
0x5d: {  	[sflag:s10] =	ssyncadd.s32 $0xFFFFC000  }
0x5e: {  	_ =	swait.ge [sflag:s10], $0x4000  }
0x5f: {  	[sflag:s10] =	ssyncset.done $0x0  }
0x60: {  	s17 =	sadd.s32 $0xFFFFFFFF, s17;
	[sflag:s10] =	ssyncadd.s32 $0xFFFFC000  }
0x61: {  	p1 =	sne.s32 s17, $0x0;
	_ =	swait.ge [sflag:s10], $0x4000  }
.Ltmp1:
0x62: {  	[sflag:s10] =	ssyncset.done $0x0;
	(pc) =	sbr.rel @!p1 .LBB2_5-.Ltmp1, $4  }
0x63: {  	[sflag:s10] =	ssyncadd.s32 $0xFFFFC000  }
0x64: {  	_ =	swait.ge [sflag:s10], $0x4000  }
0x65: {  	[sflag:s10] =	ssyncset.done $0x0  }
0x66: {  	[sflag:s10] =	ssyncadd.s32 $0xFFFFC000  }
.LBB2_1:
0x67: {  	[tilespmem:s4], [sflag:$0x6] =	stream.linear.gather [hbm4b:s5+s4], $0x200, $0x38;
	[tilespmem:$0x12140] =	vst v63  }
0x68: {  	_ =	swait.ge [sflag:s18], $0x200  }
0x69: {  	s11 =	sld [smem:$0x7FD];
	_ =	sdelay $0x2  }
0x6a: {  	p1 =	seq.s32 s11, $0x1  }
.Ltmp2:
0x6b: {  	_ = 	snop;
	(pc) =	sbr.rel @p1 .LBB2_3-.Ltmp2, $3  }
0x6c: {  	_ =	sdelay $0x1  }
0x6d: {  	[sflag:s18] =	ssyncset.done $0x0  }
0x6e: {  	[sflag:s18] =	ssyncadd.s32 $0xFFFFFE00  }
0x6f: {  	s11 =	sld [smem:$0x7FB];
	_ =	sdelay $0x2  }
0x70: {  	p1 =	seq.s32 s11, $0x1  }
0x71: {  	s13 =	rddreg [dreg:$0xa];
	s11 =	simm.s32 @!p1 $0x1C86  }
0x72: {  	[spmem:s19], [sflag:s11] =	dma.local @!p1 [hbm:s13], $0x800  }
0x73: {  	s11 =	simm.s32 @!p1 $0x6  }
0x74: {  	_ =	swait.ge @!p1 [sflag:s11], $0x800  }
0x75: {  	s13 =	sld [smem:$0x7FC];
	_ =	sdelay $0x1  }
0x76: {  	[sflag:s11] =	ssyncset.done @!p1 $0x0  }
0x77: {  	[sflag:s11] =	ssyncadd.s32 @!p1 $0xFFFFF800;
	p1 =	seq.s32 s13, $0x1  }
0x78: {  	s13 =	rddreg [dreg:$0x9];
	s11 =	simm.s32 @!p1 $0x1CC6  }
0x79: {  	[spmem:s20], [sflag:s11] =	dma.local @!p1 [hbm:s13], $0x800  }
0x7a: {  	s11 =	simm.s32 @!p1 $0x6  }
0x7b: {  	_ =	swait.ge @!p1 [sflag:s11], $0x800  }
0x7c: {  	[sflag:s11] =	ssyncset.done @!p1 $0x0  }
0x7d: {  	[sflag:s11] =	ssyncadd.s32 @!p1 $0xFFFFF800  }
0x7e: {  	s11 =	simm.s32 @!p2 $0x1C06;
	s13 =	rddreg [dreg:$0x1]  }
0x7f: {  	[spmem:s26], [sflag:s11] =	dma.local @!p2 [hbm:s13], $0x800  }
0x80: {  	s11 =	simm.s32 @!p2 $0x6  }
0x81: {  	_ =	swait.ge @!p2 [sflag:s11], $0x800  }
0x82: {  	[sflag:s11] =	ssyncset.done @!p2 $0x0  }
0x83: {  	s13 =	rddreg [dreg:$0xb];
	[sflag:s11] =	ssyncadd.s32 @!p2 $0xFFFFF800;
	s11 =	simm.s32 @!p3 $0x1C46  }
0x84: {  	[spmem:s21], [sflag:s11] =	dma.local @!p3 [hbm:s13], $0x800  }
.Ltmp3:
0x85: {  	_ = 	snop;
	(pc) =	sbr.rel .LBB2_4-.Ltmp3, $4  }
0x86: {  	s11 =	simm.s32 @!p3 $0x6  }
0x87: {  	_ =	swait.ge @!p3 [sflag:s11], $0x800  }
0x88: {  	[sflag:s11] =	ssyncset.done @!p3 $0x0  }
0x89: {  	[sflag:s11] =	ssyncadd.s32 @!p3 $0xFFFFF800  }
.LBB2_5:
0x8a: {  	_ =	sfence.sel $0x180000  }
0x8b: {  	[bflag:$0x0] =	sbarrier.arrive $0xFFFF  }
0x8c: {  	_ =	strace $0x90000047  }
0x8d: {  	s0 =	stileid.u32;
	[bflag:$0x2] =	sbarrier.arrive $0xFFFF  }
0x8e: {  	p0 =	sne.s32 s0, $0x0;
	s0 =	rddreg [dreg:$0x4]  }
0x8f: {  	s0 =	sadd.s32 @!p0 $0x100000, s0  }
0x90: {  	[sflag:s0] =	ssyncadd.tile.s32 @!p0 $0x1;
	_ =	shalt  }
.Lfunc_end2:
_tile_overlayer_lowered:
.L_overlay_start_2:
0x91: {  	(tag) =	ssettag $0x2  }
0x92: {  	s0 =	rddreg [dreg:$0x0];
	s2 =	stileid.u32  }
0x93: {  	s1 =	rddreg [dreg:$0x1];
	p0 =	sne.s32 s2, $0x0  }
0x94: {  	s3 =	rddreg [dreg:$0x2];
	[bflag:$0x3] =	sbarrier.arrive $0xFFFF;
	s2 =	simm.s32 @!p0 $0x1C06  }
0x95: {  	[timem:s3], [sflag:s2] =	dma.local @!p0 [hbm:s0], s1  }
0x96: {  	s0 =	simm.s32 @!p0 $0x6  }
0x97: {  	_ =	swait.ge @!p0 [sflag:s0], s1  }
0x98: {  	s1 =	ssub.s32 @!p0 $0x0, s1;
	[sflag:s0] =	ssyncset.done @!p0 $0x0  }
0x99: {  	[sflag:s0] =	ssyncadd.s32 @!p0 s1  }
0x9a: {  	[bflag:$0x3] =	sbarrier.arrive $0xFFFF  }
0x9b: {  	_ =	shalt  }

</sc_bundles>
